<compile_context>
chip_gen: v7x
topology: tpu7x:2x2x1
jax: 0.10.2.dev20260603
libtpu: 0.0.44.dev20260713+nightly
codegen_flags: <defaults>
</compile_context>

<pallas_src>
import jax
import jax.numpy as jnp
from jax import lax
from jax.experimental import pallas as pl
from jax.experimental.pallas import tpu as pltpu
from jax.experimental.pallas import tpu_sc as plsc

NC = 2
NS = 16
NW = NC * NS
BATCH = 16384
PER_W = BATCH // NW


def _body(steps_hbm, ab_hbm, abp_hbm, a_hbm,
          out_ab, out_abp, out_a,
          idx_v, t_ab, t_abp, t_a, r_ab, r_abp, r_a, sem_t, sem_in, sem_out):
    sid = lax.axis_index("s")
    wid = sid * NC + lax.axis_index("c")
    base = wid * PER_W

    @pl.when(sid == 0)
    def _stage_ab():
        pltpu.async_copy(ab_hbm, t_ab, sem_t).wait()

    @pl.when(sid == 1)
    def _stage_abp():
        pltpu.async_copy(abp_hbm, t_abp, sem_t).wait()

    @pl.when(sid == 2)
    def _stage_a():
        pltpu.async_copy(a_hbm, t_a, sem_t).wait()

    ic = pltpu.async_copy(steps_hbm.at[pl.ds(base, PER_W)], idx_v, sem_out)
    plsc.subcore_barrier()
    ic.wait()

    g1 = pltpu.async_copy(t_ab.at[idx_v], r_ab, sem_in)
    g2 = pltpu.async_copy(t_abp.at[idx_v], r_abp, sem_in)
    g3 = pltpu.async_copy(t_a.at[idx_v], r_a, sem_in)
    g1.wait()
    s1 = pltpu.async_copy(r_ab, out_ab.at[pl.ds(base, PER_W)], sem_out)
    g2.wait()
    s2 = pltpu.async_copy(r_abp, out_abp.at[pl.ds(base, PER_W)], sem_out)
    g3.wait()
    s3 = pltpu.async_copy(r_a, out_a.at[pl.ds(base, PER_W)], sem_out)
    s1.wait()
    s2.wait()
    s3.wait()


@jax.jit
def _run(steps, ab, abp, a):
    f32 = jnp.float32
    out = jax.ShapeDtypeStruct((BATCH,), f32)
    k = pl.kernel(
        _body,
        out_type=(out, out, out),
        mesh=plsc.VectorSubcoreMesh(core_axis_name="c", subcore_axis_name="s",
                                    num_cores=NC),
        scratch_types=[
            pltpu.VMEM((PER_W,), jnp.int32),
            pltpu.VMEM_SHARED((1000,), f32),
            pltpu.VMEM_SHARED((1000,), f32),
            pltpu.VMEM_SHARED((1000,), f32),
            pltpu.VMEM((PER_W,), f32),
            pltpu.VMEM((PER_W,), f32),
            pltpu.VMEM((PER_W,), f32),
            pltpu.SemaphoreType.DMA,
            pltpu.SemaphoreType.DMA,
            pltpu.SemaphoreType.DMA,
        ],
    )
    return k(steps, ab, abp, a)


def kernel(diffusion_steps, alpha_bars, alpha_bars_prev, alphas):
    steps = diffusion_steps.astype(jnp.int32)
    ab, abp, a = _run(steps, alpha_bars, alpha_bars_prev, alphas)
    shape = (-1, 1, 1, 1)
    return (ab.reshape(shape), abp.reshape(shape), a.reshape(shape))

# --- scband reference (transcript-rebuilt; emitter-appended) ---
"""Pipeline reference for scband-cosine-squared-noise-schedule-4509715661285 (READ-ONLY COPY).

The authoritative reference and input builder live on the scoring server;
editing this copy changes nothing except your own understanding.
"""

import jax, jax.numpy as jnp
import numpy as np
import math

NUM_DIFFUSION_STEPS = 1000
SMOOTH_FACTOR = 0.008
BATCH = 16384


def _build_tables(num_diffusion_steps: int, smooth_factor: float):
    def f(t):
        return math.cos((t / num_diffusion_steps + smooth_factor) / (1 + smooth_factor) * 2 * math.pi) ** 2
    alpha_bars = []
    for step in range(num_diffusion_steps):
        alpha_bars.append(f(step + 1) / f(0))
    alpha_bars = np.asarray(alpha_bars, dtype=np.float32)
    alpha_bars_prev = np.concatenate([np.ones((1,), dtype=np.float32), alpha_bars[:-1]])
    alphas = alpha_bars / alpha_bars_prev
    return (jnp.asarray(alpha_bars), jnp.asarray(alpha_bars_prev), jnp.asarray(alphas))


def setup_inputs(seed: int = 0) -> dict:
    key = jax.random.key(seed)
    diffusion_steps = jax.random.randint(key, (BATCH,), 0, NUM_DIFFUSION_STEPS, dtype=jnp.int64 if jax.config.jax_enable_x64 else jnp.int32)
    alpha_bars, alpha_bars_prev, alphas = _build_tables(NUM_DIFFUSION_STEPS, SMOOTH_FACTOR)
    return {
        "diffusion_steps": diffusion_steps,
        "alpha_bars": alpha_bars,
        "alpha_bars_prev": alpha_bars_prev,
        "alphas": alphas,
    }


def reference(diffusion_steps, alpha_bars, alpha_bars_prev, alphas):
    # Faithful translation of NoiseSchedule.get_alpha_bars /
    # get_alpha_bars_prev / get_alphas: a gather into the registered
    # buffer followed by view(-1, 1, 1, 1).
    ab = jnp.take(alpha_bars, diffusion_steps, axis=0).reshape(-1, 1, 1, 1)
    abp = jnp.take(alpha_bars_prev, diffusion_steps, axis=0).reshape(-1, 1, 1, 1)
    a = jnp.take(alphas, diffusion_steps, axis=0).reshape(-1, 1, 1, 1)
    return (ab, abp, a)

if __name__ == "__main__":
    import jax
    _d = setup_inputs()
    print(jax.jit(kernel)(*tuple(_d.values())))

</pallas_src>

<mosaic_0001>
#map = affine_map<(d0, d1) -> (0)>
module attributes {stable_mosaic.version = 14 : i64} {
  func.func @_body(%arg0: i32, %arg1: i32, %arg2: memref<16384xi32, #tpu.memory_space<hbm>>, %arg3: memref<1000xf32, #tpu.memory_space<hbm>>, %arg4: memref<1000xf32, #tpu.memory_space<hbm>>, %arg5: memref<1000xf32, #tpu.memory_space<hbm>>, %arg6: memref<16384xf32, #tpu.memory_space<hbm>>, %arg7: memref<16384xf32, #tpu.memory_space<hbm>>, %arg8: memref<16384xf32, #tpu.memory_space<hbm>>, %arg9: memref<512xi32, #tpu.memory_space<vmem>>, %arg10: memref<1000xf32, #tpu.memory_space<vmem_shared>>, %arg11: memref<1000xf32, #tpu.memory_space<vmem_shared>>, %arg12: memref<1000xf32, #tpu.memory_space<vmem_shared>>, %arg13: memref<512xf32, #tpu.memory_space<vmem>>, %arg14: memref<512xf32, #tpu.memory_space<vmem>>, %arg15: memref<512xf32, #tpu.memory_space<vmem>>, %arg16: memref<!tpu.dma_semaphore, #tpu.memory_space<semaphore_mem>>, %arg17: memref<!tpu.dma_semaphore, #tpu.memory_space<semaphore_mem>>, %arg18: memref<!tpu.dma_semaphore, #tpu.memory_space<semaphore_mem>>) attributes {dimension_semantics = [#tpu.dimension_semantics<core_parallel>, #tpu.dimension_semantics<subcore_parallel>], iteration_bounds = array<i64: 2, 16>, scalar_prefetch = 0 : i64, scratch_operands = 10 : i64, tpu.core_type = #tpu.core_type<sc_vector_subcore>, window_params = [{transform_indices = #map}, {transform_indices = #map}, {transform_indices = #map}, {transform_indices = #map}, {transform_indices = #map}, {transform_indices = #map}, {transform_indices = #map}]} {
    %mul3A = arith.constant 2 : i32
    %mul3A_0 = arith.muli %arg1, %mul3A : i32
    %add3A = arith.addi %mul3A_0, %arg0 : i32
    %mul3A_1 = arith.constant 512 : i32
    %mul3A_2 = arith.muli %add3A, %mul3A_1 : i32
    %eq3A = arith.constant 0 : i32
    %eq3A_3 = arith.cmpi eq, %arg1, %eq3A : i32
    %convert_element_type3A = arith.extui %eq3A_3 : i1 to i32
    %cond3A = arith.constant 0 : i32
    %cond3A_4 = arith.cmpi ne, %convert_element_type3A, %cond3A : i32
    scf.if %cond3A_4 {
      tpu.enqueue_dma source(%arg3 : memref<1000xf32, #tpu.memory_space<hbm>>) target(%arg10 : memref<1000xf32, #tpu.memory_space<vmem_shared>>) target_semaphore(%arg16 : memref<!tpu.dma_semaphore, #tpu.memory_space<semaphore_mem>>)
      tpu.wait_dma2 semaphore(%arg16 : memref<!tpu.dma_semaphore, #tpu.memory_space<semaphore_mem>>) src(%arg3 : memref<1000xf32, #tpu.memory_space<hbm>>) dst(%arg10 : memref<1000xf32, #tpu.memory_space<vmem_shared>>)
    } else {
    }
    %eq3A_5 = arith.constant 1 : i32
    %eq3A_6 = arith.cmpi eq, %arg1, %eq3A_5 : i32
    %convert_element_type3A_7 = arith.extui %eq3A_6 : i1 to i32
    %cond3A_8 = arith.constant 0 : i32
    %cond3A_9 = arith.cmpi ne, %convert_element_type3A_7, %cond3A_8 : i32
    scf.if %cond3A_9 {
      tpu.enqueue_dma source(%arg4 : memref<1000xf32, #tpu.memory_space<hbm>>) target(%arg11 : memref<1000xf32, #tpu.memory_space<vmem_shared>>) target_semaphore(%arg16 : memref<!tpu.dma_semaphore, #tpu.memory_space<semaphore_mem>>)
      tpu.wait_dma2 semaphore(%arg16 : memref<!tpu.dma_semaphore, #tpu.memory_space<semaphore_mem>>) src(%arg4 : memref<1000xf32, #tpu.memory_space<hbm>>) dst(%arg11 : memref<1000xf32, #tpu.memory_space<vmem_shared>>)
    } else {
    }
    %eq3A_10 = arith.constant 2 : i32
    %eq3A_11 = arith.cmpi eq, %arg1, %eq3A_10 : i32
    %convert_element_type3A_12 = arith.extui %eq3A_11 : i1 to i32
    %cond3A_13 = arith.constant 0 : i32
    %cond3A_14 = arith.cmpi ne, %convert_element_type3A_12, %cond3A_13 : i32
    scf.if %cond3A_14 {
      tpu.enqueue_dma source(%arg5 : memref<1000xf32, #tpu.memory_space<hbm>>) target(%arg12 : memref<1000xf32, #tpu.memory_space<vmem_shared>>) target_semaphore(%arg16 : memref<!tpu.dma_semaphore, #tpu.memory_space<semaphore_mem>>)
      tpu.wait_dma2 semaphore(%arg16 : memref<!tpu.dma_semaphore, #tpu.memory_space<semaphore_mem>>) src(%arg5 : memref<1000xf32, #tpu.memory_space<hbm>>) dst(%arg12 : memref<1000xf32, #tpu.memory_space<vmem_shared>>)
    } else {
    }
    %dma_start3A = tpu.memref_slice %arg2[%mul3A_2] : memref<16384xi32, #tpu.memory_space<hbm>> -> memref<512xi32, #tpu.memory_space<hbm>>
    %dma_start3A_15 = tpu.memref_slice %arg2[%mul3A_2] : memref<16384xi32, #tpu.memory_space<hbm>> -> memref<512xi32, #tpu.memory_space<hbm>>
    tpu.enqueue_dma source(%dma_start3A_15 : memref<512xi32, #tpu.memory_space<hbm>>) target(%arg9 : memref<512xi32, #tpu.memory_space<vmem>>) target_semaphore(%arg18 : memref<!tpu.dma_semaphore, #tpu.memory_space<semaphore_mem>>)
    %barrier3A = arith.constant 0 : index
    tpu.barrier barrier_id(%barrier3A)
    %dma_wait3A = tpu.memref_slice %arg2[%mul3A_2] : memref<16384xi32, #tpu.memory_space<hbm>> -> memref<512xi32, #tpu.memory_space<hbm>>
    %dma_wait3A_16 = tpu.memref_slice %arg2[%mul3A_2] : memref<16384xi32, #tpu.memory_space<hbm>> -> memref<512xi32, #tpu.memory_space<hbm>>
    tpu.wait_dma2 semaphore(%arg18 : memref<!tpu.dma_semaphore, #tpu.memory_space<semaphore_mem>>) src(%dma_wait3A_16 : memref<512xi32, #tpu.memory_space<hbm>>) dst(%arg9 : memref<512xi32, #tpu.memory_space<vmem>>)
    %dma_start3A_17 = arith.constant 0 : i32
    %dma_start3A_18 = tpu.memref_slice %arg10[%dma_start3A_17] : memref<1000xf32, #tpu.memory_space<vmem_shared>> -> memref<1000xf32, #tpu.memory_space<vmem_shared>>
    tpu.enqueue_indirect_dma source(%dma_start3A_18 : memref<1000xf32, #tpu.memory_space<vmem_shared>>) target(%arg13 : memref<512xf32, #tpu.memory_space<vmem>>) offsets(%arg9 : memref<512xi32, #tpu.memory_space<vmem>>) semaphore(%arg17 : memref<!tpu.dma_semaphore, #tpu.memory_space<semaphore_mem>>)
    %dma_start3A_19 = arith.constant 0 : i32
    %dma_start3A_20 = tpu.memref_slice %arg11[%dma_start3A_19] : memref<1000xf32, #tpu.memory_space<vmem_shared>> -> memref<1000xf32, #tpu.memory_space<vmem_shared>>
    tpu.enqueue_indirect_dma source(%dma_start3A_20 : memref<1000xf32, #tpu.memory_space<vmem_shared>>) target(%arg14 : memref<512xf32, #tpu.memory_space<vmem>>) offsets(%arg9 : memref<512xi32, #tpu.memory_space<vmem>>) semaphore(%arg17 : memref<!tpu.dma_semaphore, #tpu.memory_space<semaphore_mem>>)
    %dma_start3A_21 = arith.constant 0 : i32
    %dma_start3A_22 = tpu.memref_slice %arg12[%dma_start3A_21] : memref<1000xf32, #tpu.memory_space<vmem_shared>> -> memref<1000xf32, #tpu.memory_space<vmem_shared>>
    tpu.enqueue_indirect_dma source(%dma_start3A_22 : memref<1000xf32, #tpu.memory_space<vmem_shared>>) target(%arg15 : memref<512xf32, #tpu.memory_space<vmem>>) offsets(%arg9 : memref<512xi32, #tpu.memory_space<vmem>>) semaphore(%arg17 : memref<!tpu.dma_semaphore, #tpu.memory_space<semaphore_mem>>)
    %dma_wait3A_23 = arith.constant 0 : i32
    %dma_wait3A_24 = tpu.memref_slice %arg10[%dma_wait3A_23] : memref<1000xf32, #tpu.memory_space<vmem_shared>> -> memref<1000xf32, #tpu.memory_space<vmem_shared>>
    tpu.wait_indirect_dma semaphore(%arg17 : memref<!tpu.dma_semaphore, #tpu.memory_space<semaphore_mem>>) src(%dma_wait3A_24 : memref<1000xf32, #tpu.memory_space<vmem_shared>>) dst(%arg13 : memref<512xf32, #tpu.memory_space<vmem>>)
    %dma_start3A_25 = tpu.memref_slice %arg6[%mul3A_2] : memref<16384xf32, #tpu.memory_space<hbm>> -> memref<512xf32, #tpu.memory_space<hbm>>
    %dma_start3A_26 = tpu.memref_slice %arg6[%mul3A_2] : memref<16384xf32, #tpu.memory_space<hbm>> -> memref<512xf32, #tpu.memory_space<hbm>>
    tpu.enqueue_dma source(%arg13 : memref<512xf32, #tpu.memory_space<vmem>>) target(%dma_start3A_26 : memref<512xf32, #tpu.memory_space<hbm>>) target_semaphore(%arg18 : memref<!tpu.dma_semaphore, #tpu.memory_space<semaphore_mem>>)
    %dma_wait3A_27 = arith.constant 0 : i32
    %dma_wait3A_28 = tpu.memref_slice %arg11[%dma_wait3A_27] : memref<1000xf32, #tpu.memory_space<vmem_shared>> -> memref<1000xf32, #tpu.memory_space<vmem_shared>>
    tpu.wait_indirect_dma semaphore(%arg17 : memref<!tpu.dma_semaphore, #tpu.memory_space<semaphore_mem>>) src(%dma_wait3A_28 : memref<1000xf32, #tpu.memory_space<vmem_shared>>) dst(%arg14 : memref<512xf32, #tpu.memory_space<vmem>>)
    %dma_start3A_29 = tpu.memref_slice %arg7[%mul3A_2] : memref<16384xf32, #tpu.memory_space<hbm>> -> memref<512xf32, #tpu.memory_space<hbm>>
    %dma_start3A_30 = tpu.memref_slice %arg7[%mul3A_2] : memref<16384xf32, #tpu.memory_space<hbm>> -> memref<512xf32, #tpu.memory_space<hbm>>
    tpu.enqueue_dma source(%arg14 : memref<512xf32, #tpu.memory_space<vmem>>) target(%dma_start3A_30 : memref<512xf32, #tpu.memory_space<hbm>>) target_semaphore(%arg18 : memref<!tpu.dma_semaphore, #tpu.memory_space<semaphore_mem>>)
    %dma_wait3A_31 = arith.constant 0 : i32
    %dma_wait3A_32 = tpu.memref_slice %arg12[%dma_wait3A_31] : memref<1000xf32, #tpu.memory_space<vmem_shared>> -> memref<1000xf32, #tpu.memory_space<vmem_shared>>
    tpu.wait_indirect_dma semaphore(%arg17 : memref<!tpu.dma_semaphore, #tpu.memory_space<semaphore_mem>>) src(%dma_wait3A_32 : memref<1000xf32, #tpu.memory_space<vmem_shared>>) dst(%arg15 : memref<512xf32, #tpu.memory_space<vmem>>)
    %dma_start3A_33 = tpu.memref_slice %arg8[%mul3A_2] : memref<16384xf32, #tpu.memory_space<hbm>> -> memref<512xf32, #tpu.memory_space<hbm>>
    %dma_start3A_34 = tpu.memref_slice %arg8[%mul3A_2] : memref<16384xf32, #tpu.memory_space<hbm>> -> memref<512xf32, #tpu.memory_space<hbm>>
    tpu.enqueue_dma source(%arg15 : memref<512xf32, #tpu.memory_space<vmem>>) target(%dma_start3A_34 : memref<512xf32, #tpu.memory_space<hbm>>) target_semaphore(%arg18 : memref<!tpu.dma_semaphore, #tpu.memory_space<semaphore_mem>>)
    %dma_wait3A_35 = tpu.memref_slice %arg6[%mul3A_2] : memref<16384xf32, #tpu.memory_space<hbm>> -> memref<512xf32, #tpu.memory_space<hbm>>
    %dma_wait3A_36 = tpu.memref_slice %arg6[%mul3A_2] : memref<16384xf32, #tpu.memory_space<hbm>> -> memref<512xf32, #tpu.memory_space<hbm>>
    tpu.wait_dma2 semaphore(%arg18 : memref<!tpu.dma_semaphore, #tpu.memory_space<semaphore_mem>>) src(%arg13 : memref<512xf32, #tpu.memory_space<vmem>>) dst(%dma_wait3A_36 : memref<512xf32, #tpu.memory_space<hbm>>)
    %dma_wait3A_37 = tpu.memref_slice %arg7[%mul3A_2] : memref<16384xf32, #tpu.memory_space<hbm>> -> memref<512xf32, #tpu.memory_space<hbm>>
    %dma_wait3A_38 = tpu.memref_slice %arg7[%mul3A_2] : memref<16384xf32, #tpu.memory_space<hbm>> -> memref<512xf32, #tpu.memory_space<hbm>>
    tpu.wait_dma2 semaphore(%arg18 : memref<!tpu.dma_semaphore, #tpu.memory_space<semaphore_mem>>) src(%arg14 : memref<512xf32, #tpu.memory_space<vmem>>) dst(%dma_wait3A_38 : memref<512xf32, #tpu.memory_space<hbm>>)
    %dma_wait3A_39 = tpu.memref_slice %arg8[%mul3A_2] : memref<16384xf32, #tpu.memory_space<hbm>> -> memref<512xf32, #tpu.memory_space<hbm>>
    %dma_wait3A_40 = tpu.memref_slice %arg8[%mul3A_2] : memref<16384xf32, #tpu.memory_space<hbm>> -> memref<512xf32, #tpu.memory_space<hbm>>
    tpu.wait_dma2 semaphore(%arg18 : memref<!tpu.dma_semaphore, #tpu.memory_space<semaphore_mem>>) src(%arg15 : memref<512xf32, #tpu.memory_space<vmem>>) dst(%dma_wait3A_40 : memref<512xf32, #tpu.memory_space<hbm>>)
    return
  }
}

</mosaic_0001>

<sc_bundles>
// kernel: _run.3.cloned.1.call-start
scs
__scs_entry_jumppad:
0x0: {  	(pc) =	sbr.rel $0x88, $3  }
0x1: {  	(tag) =	ssettag $0x0;
	lr =	simm.s32 $0x1  }
0x2: {  	[smem:$0x3F9D] =	sst lr;
	_ =	strace $0xD0000000  }
0x3: {  	_ = 	snop  }
0x4: {  	_ = 	snop  }
0x5: {  	_ = 	snop  }
0x6: {  	_ = 	snop  }
0x7: {  	_ = 	snop  }
__scs_overlays_trampoline_lowered:
0x8: {  	[smem:$0x3FAC] =	sst s0  }
0x9: {  	[smem:$0x3FAD] =	sst s1  }
0xa: {  	[smem:$0x3FAE] =	sst s2  }
0xb: {  	[smem:$0x3FAF] =	sst s3  }
0xc: {  	[smem:$0x3FB0] =	sst s4  }
0xd: {  	[smem:$0x3FB1] =	sst s5  }
0xe: {  	[smem:$0x3FB2] =	sst s6  }
0xf: {  	[smem:$0x3FB3] =	sst s7  }
0x10: {  	[smem:$0x3FB4] =	sst s8  }
0x11: {  	[smem:$0x3FB5] =	sst s9;
	s0 =	simm.s32 @!p0 $0x0  }
0x12: {  	s1 =	sld [smem:$0x3F9B];
	s0 =	simm.s32 @p0 $0x1  }
0x13: {  	[smem:$0x3FB6] =	sst s0;
	s0 =	simm.s32 @!p1 $0x0  }
0x14: {  	s2 =	sld [smem:$0x3F9A];
	s0 =	simm.s32 @p1 $0x1  }
0x15: {  	[smem:$0x3FB7] =	sst s0;
	s0 =	simm.s32 @!p2 $0x0  }
0x16: {  	s3 =	sld [smem:$0x3FDB];
	s0 =	simm.s32 @p2 $0x1  }
0x17: {  	s4 =	simm.s32 $0x1BF5;
	[smem:$0x3FB9] =	sst s0  }
0x18: {  	s0 =	sld [smem:$0x3F9C];
	_ =	swait.ge [sflag:s4], $0x0  }
0x19: {  	s7 =	sld [smem:$0x3F9D]  }
0x1a: {  	s8 =	sadd.s32 $0xFFFFE003, lr  }
0x1b: {  	s9 =	sadd.s32 $0xFFFFFEF7, lr;
	s5 =	simm.s32 $0xFFFFFFFF;
	p2 =	slt.u32 s8, $0xFFFFF086  }
0x1c: {  	p1 =	slt.u32 s9, $0xF7A;
	s5 =	simm.s32 @!p2 $0x0  }
0x1d: {  	s5 =	simm.s32 @p1 $0x1;
	p0 =	seq.s32 s7, s2  }
0x1e: {  	s7 =	smul.u32 @!p0 $0xF7A, s2;
	p2 =	seq.s32 @!p0 s5, $0x0  }
0x1f: {  	s9 =	smul.u32 $0xF7A, s1;
	s8 =	simm.s32 @!p0 $0x1BF5;
	p2 =	por !p2, p0  }
0x20: {  	[sflag:s8] =	ssyncset.s32 @!p0 $0xFFFFF086;
	s6 =	sadd.s32 @!p0 s3, s7;
	s7 =	simm.s32 @!p0 $0x108  }
0x21: {  	s3 =	sadd.s32 s3, s9;
	s6 =	sadd.s32 @!p0 $0x88, s6;
	s7 =	simm.s32 @p2 $0x1082  }
0x22: {  	[simem:s7], [sflag:s8] =	dma.local @!p0 [hbm:s6], $0xF7A  }
0x23: {  	s9 =	sor.u32 $0xD0000000, s2;
	s6 =	simm.s32 $0x108;
	_ =	swait.ge @!p0 [sflag:s8], $0x0  }
0x24: {  	s3 =	sadd.s32 $0x88, s3;
	s6 =	simm.s32 @!p1 $0x1082;
	[sflag:s4] =	ssyncset.s32 $0xFFFFF086  }
0x25: {  	[simem:s6], [sflag:s4] =	dma.local [hbm:s3], $0xF7A  }
0x26: {  	[smem:$0x3F9D] =	sst s1;
	(tag) =	ssettag s2;
	_ =	strace s9  }
0x27: {  	s1 =	sld [smem:$0x3FAD]  }
0x28: {  	s2 =	sld [smem:$0x3FAE]  }
0x29: {  	s4 =	sld [smem:$0x3FB0]  }
0x2a: {  	p0 =	seq.s32 s5, $0x0;
	s5 =	sld [smem:$0x3FB1]  }
0x2b: {  	s6 =	sld [smem:$0x3FB2]  }
0x2c: {  	s7 =	sld [smem:$0x3FB3]  }
0x2d: {  	s3 =	simm.s32 $0x108;
	s8 =	sld [smem:$0x3FB4]  }
0x2e: {  	s3 =	simm.s32 @!p0 $0x1082;
	s9 =	sld [smem:$0x3FB5]  }
0x2f: {  	lr =	sadd.s32 s0, s3;
	s0 =	sld [smem:$0x3FAC]  }
0x30: {  	s3 =	sld [smem:$0x3FAF]  }
0x31: {  	[smem:$0x3FB8] =	sst s10  }
0x32: {  	s10 =	sld [smem:$0x3FB6];
	_ =	sdelay $0x3  }
0x33: {  	p0 =	seq.s32 s10, $0x1;
	s10 =	sld [smem:$0x3FB8];
	_ =	sdelay $0x3  }
0x34: {  	[smem:$0x3FB8] =	sst s10  }
0x35: {  	s10 =	sld [smem:$0x3FB7];
	_ =	sdelay $0x3  }
0x36: {  	p1 =	seq.s32 s10, $0x1;
	s10 =	sld [smem:$0x3FB8];
	_ =	sdelay $0x3  }
0x37: {  	[smem:$0x3FB8] =	sst s10  }
0x38: {  	s10 =	sld [smem:$0x3FB9]  }
0x39: {  	_ = 	snop;
	(pc) =	sbr.ind lr, $3  }
0x3a: {  	_ = 	snop  }
0x3b: {  	_ = 	snop  }
0x3c: {  	p2 =	seq.s32 s10, $0x1;
	s10 =	sld [smem:$0x3FB8]  }
0x3d: {  	_ =	shalt  }
0x3e: {  	_ =	shalt  }
0x3f: {  	_ =	shalt  }
0x40: {  	_ =	shalt  }
0x41: {  	_ =	shalt  }
0x42: {  	_ =	shalt  }
0x43: {  	_ =	shalt  }
0x44: {  	_ =	shalt  }
0x45: {  	_ =	shalt  }
0x46: {  	_ =	shalt  }
0x47: {  	_ =	shalt  }
0x48: {  	_ =	shalt  }
0x49: {  	_ =	shalt  }
0x4a: {  	_ =	shalt  }
0x4b: {  	_ =	shalt  }
0x4c: {  	_ =	shalt  }
0x4d: {  	_ =	shalt  }
0x4e: {  	_ =	shalt  }
0x4f: {  	_ =	shalt  }
0x50: {  	_ =	shalt  }
0x51: {  	_ =	shalt  }
0x52: {  	_ =	shalt  }
0x53: {  	_ =	shalt  }
0x54: {  	_ =	shalt  }
0x55: {  	_ =	shalt  }
0x56: {  	_ =	shalt  }
0x57: {  	_ =	shalt  }
0x58: {  	_ =	shalt  }
0x59: {  	_ =	shalt  }
0x5a: {  	_ =	shalt  }
0x5b: {  	_ =	shalt  }
0x5c: {  	_ =	shalt  }
0x5d: {  	_ =	shalt  }
0x5e: {  	_ =	shalt  }
0x5f: {  	_ =	shalt  }
0x60: {  	_ =	shalt  }
0x61: {  	_ =	shalt  }
0x62: {  	_ =	shalt  }
0x63: {  	_ =	shalt  }
0x64: {  	_ =	shalt  }
0x65: {  	_ =	shalt  }
0x66: {  	_ =	shalt  }
0x67: {  	_ =	shalt  }
0x68: {  	_ =	shalt  }
0x69: {  	_ =	shalt  }
0x6a: {  	_ =	shalt  }
0x6b: {  	_ =	shalt  }
0x6c: {  	_ =	shalt  }
0x6d: {  	_ =	shalt  }
0x6e: {  	_ =	shalt  }
0x6f: {  	_ =	shalt  }
0x70: {  	_ =	shalt  }
0x71: {  	_ =	shalt  }
0x72: {  	_ =	shalt  }
0x73: {  	_ =	shalt  }
0x74: {  	_ =	shalt  }
0x75: {  	_ =	shalt  }
0x76: {  	_ =	shalt  }
0x77: {  	_ =	shalt  }
0x78: {  	_ =	shalt  }
0x79: {  	_ =	shalt  }
0x7a: {  	_ =	shalt  }
0x7b: {  	_ =	shalt  }
0x7c: {  	_ =	shalt  }
0x7d: {  	_ =	shalt  }
0x7e: {  	_ =	shalt  }
0x7f: {  	_ =	shalt  }
0x80: {  	_ =	shalt  }
0x81: {  	_ =	shalt  }
0x82: {  	_ =	shalt  }
0x83: {  	_ =	shalt  }
0x84: {  	_ =	shalt  }
0x85: {  	_ =	shalt  }
0x86: {  	_ =	shalt  }
0x87: {  	_ =	shalt  }
.Lfunc_end0:
.L_simem_size_0:
called_computation_lowered:
.L_overlay_start_0:
0x88: {  	s2 =	sld [smem:$0x3FD9]  }
0x89: {  	s3 =	sld [smem:$0x3FFE];
	_ =	sdelay $0x1  }
0x8a: {  	s1 =	srdreg.scid  }
0x8b: {  	s0 =	sand.u32 $0x1, s1  }
0x8c: {  	s15 =	sshll.u32 s0, $0xA;
	s2 =	sadd.s32 s3, s2  }
0x8d: {  	s2 =	sadd.s32 s2, s15  }
0x8e: {  	[smem:$0x3FC4] =	sst s2  }
0x8f: {  	_ = 	snop  }
0x90: {  	s2 =	sld [smem:$0x3FC9]  }
0x91: {  	s16 =	sld [smem:$0x3FD0]  }
0x92: {  	s4 =	sld [smem:$0x3FC8]  }
0x93: {  	s5 =	sld [smem:$0x3FC7]  }
0x94: {  	s7 =	simm.s32 $0xA;
	s8 =	simm.s32 $0x10;
	s6 =	sld [smem:$0x3FC6]  }
0x95: {  	[smem:s8], [sflag:s7] =	dma.local [hbm:s16], $0x1  }
0x96: {  	_ =	swait.eq [sflag:s7], $0x1  }
0x97: {  	s17 =	sld [smem:$0x10];
	[sflag:s7] =	ssyncset.done $0x0  }
0x98: {  	s18 =	sld [smem:$0x11];
	[sflag:s7] =	ssyncadd.s32 $0xFFFFFFFF  }
0x99: {  	s19 =	sld [smem:$0x12];
	(tm) =	ssettm $0x1  }
0x9a: {  	s9 =	sld [smem:$0x3FFB];
	_ =	sdelay $0x3  }
0x9b: {  	_ =	strace s9  }
0x9c: {  	s9 =	sld [smem:$0x3FFC];
	_ =	sdelay $0x3  }
0x9d: {  	_ =	strace s9  }
0x9e: {  	s9 =	sld [smem:$0x3FFD];
	_ =	sdelay $0x3  }
0x9f: {  	_ =	strace s9  }
0xa0: {  	_ =	strace $0x8FFFFFFF  }
0xa1: {  	s20 =	sld [smem:$0x3FDB];
	_ =	sdelay $0x1  }
0xa2: {  	s10 =	simm.s32 $_scs_section_size  }
0xa3: {  	s11 =	simm.s32 $_size__tile_overlayer_lowered;
	s12 =	simm.s32 $_tile_overlayer_lowered  }
0xa4: {  	s23 =	simm.s32 $0x1BFF;
	s22 =	sshll.u32 s12, $0x1;
	s9 =	sadd.s32 s10, s20  }
0xa5: {  	s13 =	simm.s32 $0x0;
	s21 =	sshll.u32 s11, $0x1;
	s11 =	sadd.s32 s22, s9  }
0xa6: {  	[timem:s13], [sflag:s23] =	dma.local [hbm:s11], s21  }
0xa7: {  	_ =	swait.ge [sflag:s23], s21  }
0xa8: {  	s10 =	ssub.s32 $0x0, s21;
	[sflag:s23] =	ssyncset.done $0x0  }
0xa9: {  	[sflag:s23] =	ssyncadd.s32 s10;
	_ =	sdelay $0x1  }
0xaa: {  	s24 =	simm.s32 $0x1B8B  }
0xab: {  	_ =	swait.ge [sflag:s24], $0x1  }
0xac: {  	[sflag:s24] =	ssyncset.done $0x0  }
0xad: {  	s25 =	simm.s32 $0x1B8E;
	[sflag:s24] =	ssyncadd.s32 $0xFFFFFFFF  }
0xae: {  	s26 =	simm.s32 $execute0_lowered;
	[smem:$0x3FD2] =	sst s25  }
0xaf: {  	s10 =	sshll.u32 s26, $0x1;
	_ =	strace $0x80000046;
	[dreg:$0x1] =	wrdreg $0xFFFFFFFF  }
0xb0: {  	s28 =	simm.s32 $_size_execute0_lowered;
	s9 =	sadd.s32 s9, s10;
	[dreg:$0x0] =	wrdreg $0x0  }
0xb1: {  	s10 =	sshll.u32 s28, $0x1;
	[dreg:$0x2] =	wrdreg s9  }
0xb2: {  	[dreg:$0x3] =	wrdreg s10  }
0xb3: {  	[dreg:$0x4] =	wrdreg $0xC0  }
0xb4: {  	_ =	task [dreg:s13], $0x5FFFF  }
0xb5: {  	[dreg:$0x1] =	wrdreg $0xFFFFFFFF  }
0xb6: {  	[dreg:$0x0] =	wrdreg $0x60  }
0xb7: {  	[dreg:$0x2] =	wrdreg s2  }
0xb8: {  	[dreg:$0x3] =	wrdreg s4  }
0xb9: {  	[dreg:$0x4] =	wrdreg s5  }
0xba: {  	[dreg:$0x5] =	wrdreg s6  }
0xbb: {  	[dreg:$0x6] =	wrdreg s17  }
0xbc: {  	[dreg:$0x7] =	wrdreg s18  }
0xbd: {  	[dreg:$0x8] =	wrdreg s19  }
0xbe: {  	[dreg:$0x9] =	wrdreg $0x2000  }
0xbf: {  	[dreg:$0xa] =	wrdreg $0x2400  }
0xc0: {  	[dreg:$0xb] =	wrdreg $0x2800  }
0xc1: {  	[dreg:$0xc] =	wrdreg $0x9  }
0xc2: {  	_ =	task.clear_ibuf [dreg:s13], $0xDFFFF;
	_ =	strace $0x90000046  }
0xc3: {  	s29 =	simm.s32 $0x9;
	_ =	strace $0x80000048  }
0xc4: {  	_ =	swait.ge [sflag:s29], $0x1  }
0xc5: {  	[sflag:s29] =	ssyncadd.s32 $0xFFFFFFFF  }
0xc6: {  	_ =	strace $0x90000048  }
0xc7: {  	_ =	sfence  }
0xc8: {  	s30 =	sld [smem:$0x0];
	_ =	sdelay $0x2  }
0xc9: {  	s31 =	sshll.u32 s1, $0xD;
	s1 =	sshrl.u32 s1, $0x2  }
0xca: {  	s3 =	sand.u32 $0x4000, s31;
	s1 =	sadd.s32 s1, s30  }
0xcb: {  	s0 =	sor.u32 s3, s0;
	s1 =	sshll.u32 s1, $0x11  }
0xcc: {  	s0 =	sor.u32 s1, s0  }
0xcd: {  	s0 =	sadd.s32 $0x8F2B, s0  }
0xce: {  	[sflag:s0] =	ssyncadd.remote.s32 $0x1  }
0xcf: {  	_ =	sfence.sel $0xFFFF  }
0xd0: {  	[dreg:$0x0] =	wrdreg $0xFFFFFFFF;
	(pc) =	sbr.abs _section_cstart, $3  }
0xd1: {  	[dreg:$0x1] =	wrdreg $0xFFFFFFFF  }
0xd2: {  	_ =	task.clear_ibuf [dreg:s13], $0x2FFFF;
	_ =	strace $0x9FFFFFFF  }
0xd3: {  	(tm) =	ssettm $0x7FFFFFFF  }
tec
execute0_lowered:
.L_overlay_start_1:
0x0: {  	(tag) =	ssettag $0x1  }
0x1: {  	s8 =	rddreg [dreg:$0x0]  }
0x2: {  	s0 =	rddreg [dreg:$0x1]  }
0x3: {  	s1 =	rddreg [dreg:$0x2]  }
0x4: {  	s2 =	rddreg [dreg:$0x3]  }
0x5: {  	s9 =	rddreg [dreg:$0x4]  }
0x6: {  	s10 =	rddreg [dreg:$0x5]  }
0x7: {  	s11 =	rddreg [dreg:$0x6]  }
0x8: {  	s4 =	rddreg [dreg:$0x7]  }
0x9: {  	s5 =	rddreg [dreg:$0x8]  }
0xa: {  	s6 =	rddreg [dreg:$0x9]  }
0xb: {  	s12 =	srdreg.scid;
	s3 =	rddreg [dreg:$0xa]  }
0xc: {  	s7 =	simm.s32 $0x0;
	s24 =	stileid.u32;
	s16 =	simm.s32 $0x3  }
0xd: {  	s17 =	simm.s32 $0x200;
	s18 =	simm.s32 $0x2C0;
	s19 =	simm.s32 $0x4C0  }
0xe: {  	s20 =	simm.s32 $0x6C0;
	s21 =	simm.s32 $0x2;
	s23 =	simm.s32 $0x1C41  }
0xf: {  	s25 =	simm.s32 $0x1C01;
	s12 =	sand.u32 $0x1, s12;
	[smem:$0x7FF] =	sst s7  }
0x10: {  	s15 =	sshll.u32 s24, $0x7;
	p0 =	seq.s32 s24, $0x2;
	p2 =	seq.s32 s24, $0x1  }
0x11: {  	s22 =	sshrl.u32 s5, $0x3;
	p1 =	sne.s32 s24, $0x0;
	s24 =	sshrl.u32 s4, $0x3  }
.Ltmp0:
0x12: {  	s13 =	ssub.s32 $0x2, s12;
	s12 =	sshll.u32 s12, $0x6;
	(pc) =	sbr.rel .LBB2_1-.Ltmp0, $4  }
0x13: {  	_ =	strace $0x80000047;
	s14 =	sshrl.u32 s13, $0x1;
	s12 =	sor.u32 s12, s15  }
0x14: {  	s15 =	simm.s32 $0x1;
	s13 =	ssub.s32 s13, s14;
	s8 =	sadd.s32 s8, s12  }
0x15: {  	s9 =	sadd.s32 s9, s12;
	s10 =	sadd.s32 s10, s12;
	s11 =	sadd.s32 s11, s12  }
0x16: {  	s14 =	simm.s32 $0x1C81;
	s12 =	smax.u32 s13, $0x1;
	s13 =	sshrl.u32 s6, $0x3  }
.LBB2_5:
0x17: {  	[spmem:s22], [sflag:s23] =	dma.local [hbm:s1], $0x80  }
.LBB2_7:
0x18: {  	_ =	swait.ge [sflag:s15], $0x80  }
0x19: {  	[sflag:s15] =	ssyncset.done $0x0  }
0x1a: {  	[sflag:s15] =	ssyncadd.s32 $0xFFFFFF80  }
.LBB2_8:
0x1b: {  	[tilespmem:s7], [sflag:$0x3] =	stream.linear.gather [hbm4b:s8+s7], $0x200, $0x38;
	[tilespmem:$0x8C0] =	vst v63  }
0x1c: {  	[bflag:$0x0] =	sbarrier.arrive $0xFFFF  }
0x1d: {  	_ =	swait.ge [sflag:s16], $0x200  }
0x1e: {  	[sflag:s16] =	ssyncset.done $0x0  }
0x1f: {  	[sflag:s16] =	ssyncadd.s32 $0xFFFFFE00  }
0x20: {  	[tilespmem:s18], [sflag:$0x2] =	stream.indirect.gather [spmem:s4], $0x1, s7, s17, $0xb8;
	[tilespmem:$0x8C0] =	vst v63  }
0x21: {  	_ = 	snop  }
0x22: {  	[tilespmem:s19], [sflag:$0x2] =	stream.indirect.gather [spmem:s5], $0x1, s7, s17, $0xb8;
	[tilespmem:$0x8C0] =	vst v63  }
0x23: {  	_ = 	snop  }
0x24: {  	[tilespmem:s20], [sflag:$0x2] =	stream.indirect.gather [spmem:s6], $0x1, s7, s17, $0xb8;
	[tilespmem:$0x8C0] =	vst v63  }
0x25: {  	_ =	swait.ge [sflag:s21], $0x200  }
0x26: {  	[sflag:s21] =	ssyncset.done $0x0  }
0x27: {  	[sflag:s21] =	ssyncadd.s32 $0xFFFFFE00  }
0x28: {  	[hbm4b:s9+s7] =	stream.linear.scatter [tilespmem:s18], [sflag:$0x3], $0x200, $0x38;
	[tilespmem:$0x8C0] =	vst v63  }
0x29: {  	_ =	swait.ge [sflag:s21], $0x200  }
0x2a: {  	[sflag:s21] =	ssyncset.done $0x0  }
0x2b: {  	[sflag:s21] =	ssyncadd.s32 $0xFFFFFE00  }
0x2c: {  	[hbm4b:s10+s7] =	stream.linear.scatter [tilespmem:s19], [sflag:$0x3], $0x200, $0x38;
	[tilespmem:$0x8C0] =	vst v63  }
0x2d: {  	_ =	swait.ge [sflag:s21], $0x200  }
0x2e: {  	[sflag:s21] =	ssyncset.done $0x0  }
0x2f: {  	[sflag:s21] =	ssyncadd.s32 $0xFFFFFE00  }
0x30: {  	[hbm4b:s11+s7] =	stream.linear.scatter [tilespmem:s20], [sflag:$0x3], $0x200, $0x38;
	[tilespmem:$0x8C0] =	vst v63  }
0x31: {  	_ =	swait.ge [sflag:s16], $0x200  }
0x32: {  	[sflag:s16] =	ssyncset.done $0x0  }
0x33: {  	s12 =	sadd.s32 $0xFFFFFFFF, s12;
	[sflag:s16] =	ssyncadd.s32 $0xFFFFFE00  }
0x34: {  	p3 =	sne.s32 s12, $0x0;
	_ =	swait.ge [sflag:s16], $0x200  }
.Ltmp1:
0x35: {  	[sflag:s16] =	ssyncset.done $0x0;
	(pc) =	sbr.rel @!p3 .LBB2_9-.Ltmp1, $4  }
0x36: {  	[sflag:s16] =	ssyncadd.s32 $0xFFFFFE00  }
0x37: {  	_ =	swait.ge [sflag:s16], $0x200  }
0x38: {  	[sflag:s16] =	ssyncset.done $0x0  }
0x39: {  	[sflag:s16] =	ssyncadd.s32 $0xFFFFFE00  }
.LBB2_1:
.Ltmp2:
0x3a: {  	(pc) =	sbr.rel @p0 .LBB2_6-.Ltmp2, $1  }
0x3b: {  	_ =	sdelay $0x3  }
.Ltmp3:
0x3c: {  	(pc) =	sbr.rel @p2 .LBB2_5-.Ltmp3, $1  }
0x3d: {  	_ =	sdelay $0x3  }
.Ltmp4:
0x3e: {  	(pc) =	sbr.rel @p1 .LBB2_8-.Ltmp4, $1  }
0x3f: {  	_ =	sdelay $0x3  }
.Ltmp5:
0x40: {  	(pc) =	sbr.rel .LBB2_7-.Ltmp5, $2  }
0x41: {  	_ =	sdelay $0x2  }
0x42: {  	[spmem:s24], [sflag:s25] =	dma.local [hbm:s0], $0x80  }
.LBB2_6:
.Ltmp6:
0x43: {  	(pc) =	sbr.rel .LBB2_7-.Ltmp6, $2  }
0x44: {  	_ =	sdelay $0x2  }
0x45: {  	[spmem:s13], [sflag:s14] =	dma.local [hbm:s2], $0x80  }
.LBB2_9:
0x46: {  	_ =	sfence.sel $0x180000  }
0x47: {  	[bflag:$0x0] =	sbarrier.arrive $0xFFFF  }
0x48: {  	_ =	strace $0x90000047  }
0x49: {  	s0 =	sadd.s32 @!p1 $0x100000, s3;
	[bflag:$0x2] =	sbarrier.arrive $0xFFFF  }
0x4a: {  	[sflag:s0] =	ssyncadd.tile.s32 @!p1 $0x1;
	_ =	shalt  }
.Lfunc_end2:
_tile_overlayer_lowered:
.L_overlay_start_2:
0x4b: {  	(tag) =	ssettag $0x2  }
0x4c: {  	s0 =	rddreg [dreg:$0x0];
	s2 =	stileid.u32  }
0x4d: {  	s1 =	rddreg [dreg:$0x1];
	p0 =	sne.s32 s2, $0x0  }
0x4e: {  	s3 =	rddreg [dreg:$0x2];
	[bflag:$0x3] =	sbarrier.arrive $0xFFFF;
	s2 =	simm.s32 @!p0 $0x1C04  }
0x4f: {  	[timem:s3], [sflag:s2] =	dma.local @!p0 [hbm:s0], s1  }
0x50: {  	s0 =	simm.s32 @!p0 $0x4  }
0x51: {  	_ =	swait.ge @!p0 [sflag:s0], s1  }
0x52: {  	s1 =	ssub.s32 @!p0 $0x0, s1;
	[sflag:s0] =	ssyncset.done @!p0 $0x0  }
0x53: {  	[sflag:s0] =	ssyncadd.s32 @!p0 s1  }
0x54: {  	[bflag:$0x3] =	sbarrier.arrive $0xFFFF  }
0x55: {  	_ =	shalt  }

</sc_bundles>
